<compile_context>
chip_gen: v7x
topology: tpu7x:2x2x1
jax: 0.10.2.dev20260603
libtpu: 0.0.44.dev20260713+nightly
codegen_flags: <defaults>
</compile_context>

<pallas_src>
import functools

import jax
import jax.numpy as jnp
from jax import lax
from jax.experimental import pallas as pl
from jax.experimental.pallas import tpu as pltpu
from jax.experimental.pallas import tpu_sc as plsc

_BATCH = 4096
_SEQ = 200
_DIM = 32
_NW = 32
_TOTAL = _BATCH * _SEQ
_PER_W = _TOTAL // _NW
_CH = 800
_NCH = _PER_W // _CH
_SUBS = [(o, min(128, _CH - o)) for o in range(0, _CH, 128)]


def _body(idx_hbm, wt_hbm, pos_hbm, out_hbm,
          idx_v, rows_v, pos_v, gsem, osem):
    wid = lax.axis_index("s") * 2 + lax.axis_index("c")
    base = wid * _PER_W
    pltpu.sync_copy(pos_hbm, pos_v)

    def chunk(g, carry):
        row0 = base + g * _CH
        pltpu.sync_copy(idx_hbm.at[pl.ds(row0, _CH)], idx_v)
        copies = [
            pltpu.async_copy(wt_hbm.at[idx_v.at[pl.ds(o, n)]],
                             rows_v.at[pl.ds(o, n)], gsem)
            for o, n in _SUBS
        ]
        for c in copies:
            c.wait()

        def addl(l, c2):
            p0 = pos_v[l, pl.ds(0, 16)]
            p1 = pos_v[l, pl.ds(16, 16)]
            for s in range(_CH // _SEQ):
                r = s * _SEQ + l
                rows_v[r, pl.ds(0, 16)] = rows_v[r, pl.ds(0, 16)] + p0
                rows_v[r, pl.ds(16, 16)] = rows_v[r, pl.ds(16, 16)] + p1
            return c2

        lax.fori_loop(0, _SEQ, addl, 0)
        pltpu.async_copy(rows_v, out_hbm.at[pl.ds(row0, _CH)], osem).wait()
        return carry

    lax.fori_loop(0, _NCH, chunk, 0)


_emb = functools.partial(
    pl.kernel,
    out_type=jax.ShapeDtypeStruct((_TOTAL, _DIM), jnp.float32),
    mesh=plsc.VectorSubcoreMesh(core_axis_name="c", subcore_axis_name="s"),
    compiler_params=pltpu.CompilerParams(use_tc_tiling_on_sc=False),
    scratch_types=[
        pltpu.VMEM((_CH,), jnp.int32),
        pltpu.VMEM((_CH, _DIM), jnp.float32),
        pltpu.VMEM((_SEQ, _DIM), jnp.float32),
        pltpu.SemaphoreType.DMA,
        pltpu.SemaphoreType.DMA,
    ],
)(_body)


def kernel(inputs, word_table, pos_table):
    flat = inputs.reshape(_TOTAL).astype(jnp.int32)
    out = _emb(flat, word_table, pos_table)
    return out.reshape(_BATCH, _SEQ, _DIM)

# --- scband reference (transcript-rebuilt; emitter-appended) ---
"""Pipeline reference for scband-positional-embedding-678604833280 (READ-ONLY COPY).

The authoritative reference and input builder live on the scoring server;
editing this copy changes nothing except your own understanding.
"""

import jax, jax.numpy as jnp
import numpy as np

MAX_WORD = 1000000
EMBED_DIM = 32
SEQ_LENGTH = 200
BATCH = 4096

def setup_inputs(seed: int = 0) -> dict:
    key = jax.random.key(seed)
    k1, k2, k3 = jax.random.split(key, 3)
    inputs = jax.random.randint(k1, (BATCH, SEQ_LENGTH), 0, MAX_WORD, dtype=jnp.int64 if jax.config.jax_enable_x64 else jnp.int32)
    # Keras Embedding default init is uniform(-0.05, 0.05)
    word_table = jax.random.uniform(k2, (MAX_WORD, EMBED_DIM), minval=-0.05, maxval=0.05, dtype=jnp.float32)
    pos_table = jax.random.uniform(k3, (SEQ_LENGTH, EMBED_DIM), minval=-0.05, maxval=0.05, dtype=jnp.float32)
    return {"inputs": inputs, "word_table": word_table, "pos_table": pos_table}

def reference(inputs, word_table, pos_table):
    length = inputs.shape[-1]
    position = jnp.arange(0, length)
    embedded_tokens = jnp.take(word_table, inputs, axis=0)  # [B, L, D]
    embedded_pos = jnp.take(pos_table, position, axis=0)    # [L, D]
    return embedded_tokens + embedded_pos[None, :, :]

if __name__ == "__main__":
    import jax
    _d = setup_inputs()
    print(jax.jit(kernel)(*tuple(_d.values())))

</pallas_src>

<mosaic_0001>
#map = affine_map<(d0, d1) -> (0)>
#map1 = affine_map<(d0, d1) -> (0, 0)>
module attributes {stable_mosaic.version = 14 : i64} {
  func.func @_body(%arg0: i32, %arg1: i32, %arg2: memref<819200xi32, #tpu.memory_space<hbm>>, %arg3: memref<1000000x32xf32, #tpu.memory_space<hbm>>, %arg4: memref<200x32xf32, #tpu.memory_space<hbm>>, %arg5: memref<819200x32xf32, #tpu.memory_space<hbm>>, %arg6: memref<800xi32, #tpu.memory_space<vmem>>, %arg7: memref<800x32xf32, #tpu.memory_space<vmem>>, %arg8: memref<200x32xf32, #tpu.memory_space<vmem>>, %arg9: memref<!tpu.dma_semaphore, #tpu.memory_space<semaphore_mem>>, %arg10: memref<!tpu.dma_semaphore, #tpu.memory_space<semaphore_mem>>) attributes {dimension_semantics = [#tpu.dimension_semantics<core_parallel>, #tpu.dimension_semantics<subcore_parallel>], iteration_bounds = array<i64: 2, 16>, scalar_prefetch = 0 : i64, scratch_operands = 5 : i64, tpu.core_type = #tpu.core_type<sc_vector_subcore>, window_params = [{transform_indices = #map}, {transform_indices = #map1}, {transform_indices = #map1}, {transform_indices = #map1}]} {
    %mul3A = arith.constant 2 : i32
    %mul3A_0 = arith.muli %arg1, %mul3A : i32
    %add3A = arith.addi %mul3A_0, %arg0 : i32
    %mul3A_1 = arith.constant 25600 : i32
    %mul3A_2 = arith.muli %add3A, %mul3A_1 : i32
    "tpu.region"() ({
      %run_scoped3A = tpu.sem_alloc : memref<!tpu.dma_semaphore, #tpu.memory_space<semaphore_mem>>
      tpu.enqueue_dma source(%arg4 : memref<200x32xf32, #tpu.memory_space<hbm>>) target(%arg8 : memref<200x32xf32, #tpu.memory_space<vmem>>) target_semaphore(%run_scoped3A : memref<!tpu.dma_semaphore, #tpu.memory_space<semaphore_mem>>)
      tpu.wait_dma2 semaphore(%run_scoped3A : memref<!tpu.dma_semaphore, #tpu.memory_space<semaphore_mem>>) src(%arg4 : memref<200x32xf32, #tpu.memory_space<hbm>>) dst(%arg8 : memref<200x32xf32, #tpu.memory_space<vmem>>)
      tpu.yield
    }) : () -> ()
    %scan3A = arith.constant 0 : i32
    %scan3A_3 = arith.constant 0 : i32
    %scan3A_4 = arith.constant 32 : i32
    %scan3A_5 = arith.addi %scan3A_3, %scan3A_4 : i32
    %scan3A_6 = arith.constant 1 : i32
    scf.for %scan3A_8 = %scan3A_3 to %scan3A_5 step %scan3A_6  : i32 {
      %mul3A_9 = arith.constant 800 : i32
      %mul3A_10 = arith.muli %scan3A_8, %mul3A_9 : i32
      %add3A_11 = arith.addi %mul3A_2, %mul3A_10 : i32
      "tpu.region"() ({
        %run_scoped3A = tpu.sem_alloc : memref<!tpu.dma_semaphore, #tpu.memory_space<semaphore_mem>>
        %dma_start3A_136 = tpu.memref_slice %arg2[%add3A_11] : memref<819200xi32, #tpu.memory_space<hbm>> -> memref<800xi32, #tpu.memory_space<hbm>>
        %dma_start3A_137 = tpu.memref_slice %arg2[%add3A_11] : memref<819200xi32, #tpu.memory_space<hbm>> -> memref<800xi32, #tpu.memory_space<hbm>>
        tpu.enqueue_dma source(%dma_start3A_137 : memref<800xi32, #tpu.memory_space<hbm>>) target(%arg6 : memref<800xi32, #tpu.memory_space<vmem>>) target_semaphore(%run_scoped3A : memref<!tpu.dma_semaphore, #tpu.memory_space<semaphore_mem>>)
        %dma_wait3A_138 = tpu.memref_slice %arg2[%add3A_11] : memref<819200xi32, #tpu.memory_space<hbm>> -> memref<800xi32, #tpu.memory_space<hbm>>
        %dma_wait3A_139 = tpu.memref_slice %arg2[%add3A_11] : memref<819200xi32, #tpu.memory_space<hbm>> -> memref<800xi32, #tpu.memory_space<hbm>>
        tpu.wait_dma2 semaphore(%run_scoped3A : memref<!tpu.dma_semaphore, #tpu.memory_space<semaphore_mem>>) src(%dma_wait3A_139 : memref<800xi32, #tpu.memory_space<hbm>>) dst(%arg6 : memref<800xi32, #tpu.memory_space<vmem>>)
        tpu.yield
      }) : () -> ()
      %dma_start3A = arith.constant 0 : i32
      %dma_start3A_12 = arith.constant 0 : i32
      %dma_start3A_13 = tpu.memref_slice %arg7[%dma_start3A, %dma_start3A_12] : memref<800x32xf32, #tpu.memory_space<vmem>> -> memref<128x32xf32, #tpu.memory_space<vmem>>
      %dma_start3A_14 = arith.constant 0 : i32
      %dma_start3A_15 = tpu.memref_slice %arg6[%dma_start3A_14] : memref<800xi32, #tpu.memory_space<vmem>> -> memref<128xi32, #tpu.memory_space<vmem>>
      %dma_start3A_16 = arith.constant 0 : i32
      %dma_start3A_17 = arith.constant 0 : i32
      %dma_start3A_18 = tpu.memref_slice %arg3[%dma_start3A_16, %dma_start3A_17] : memref<1000000x32xf32, #tpu.memory_space<hbm>> -> memref<1000000x32xf32, #tpu.memory_space<hbm>>
      tpu.enqueue_indirect_dma source(%dma_start3A_18 : memref<1000000x32xf32, #tpu.memory_space<hbm>>) target(%dma_start3A_13 : memref<128x32xf32, #tpu.memory_space<vmem>>) offsets(%dma_start3A_15 : memref<128xi32, #tpu.memory_space<vmem>>) semaphore(%arg9 : memref<!tpu.dma_semaphore, #tpu.memory_space<semaphore_mem>>)
      %dma_start3A_19 = arith.constant 128 : i32
      %dma_start3A_20 = arith.constant 0 : i32
      %dma_start3A_21 = tpu.memref_slice %arg7[%dma_start3A_19, %dma_start3A_20] : memref<800x32xf32, #tpu.memory_space<vmem>> -> memref<128x32xf32, #tpu.memory_space<vmem>>
      %dma_start3A_22 = arith.constant 128 : i32
      %dma_start3A_23 = tpu.memref_slice %arg6[%dma_start3A_22] : memref<800xi32, #tpu.memory_space<vmem>> -> memref<128xi32, #tpu.memory_space<vmem>>
      %dma_start3A_24 = arith.constant 0 : i32
      %dma_start3A_25 = arith.constant 0 : i32
      %dma_start3A_26 = tpu.memref_slice %arg3[%dma_start3A_24, %dma_start3A_25] : memref<1000000x32xf32, #tpu.memory_space<hbm>> -> memref<1000000x32xf32, #tpu.memory_space<hbm>>
      tpu.enqueue_indirect_dma source(%dma_start3A_26 : memref<1000000x32xf32, #tpu.memory_space<hbm>>) target(%dma_start3A_21 : memref<128x32xf32, #tpu.memory_space<vmem>>) offsets(%dma_start3A_23 : memref<128xi32, #tpu.memory_space<vmem>>) semaphore(%arg9 : memref<!tpu.dma_semaphore, #tpu.memory_space<semaphore_mem>>)
      %dma_start3A_27 = arith.constant 256 : i32
      %dma_start3A_28 = arith.constant 0 : i32
      %dma_start3A_29 = tpu.memref_slice %arg7[%dma_start3A_27, %dma_start3A_28] : memref<800x32xf32, #tpu.memory_space<vmem>> -> memref<128x32xf32, #tpu.memory_space<vmem>>
      %dma_start3A_30 = arith.constant 256 : i32
      %dma_start3A_31 = tpu.memref_slice %arg6[%dma_start3A_30] : memref<800xi32, #tpu.memory_space<vmem>> -> memref<128xi32, #tpu.memory_space<vmem>>
      %dma_start3A_32 = arith.constant 0 : i32
      %dma_start3A_33 = arith.constant 0 : i32
      %dma_start3A_34 = tpu.memref_slice %arg3[%dma_start3A_32, %dma_start3A_33] : memref<1000000x32xf32, #tpu.memory_space<hbm>> -> memref<1000000x32xf32, #tpu.memory_space<hbm>>
      tpu.enqueue_indirect_dma source(%dma_start3A_34 : memref<1000000x32xf32, #tpu.memory_space<hbm>>) target(%dma_start3A_29 : memref<128x32xf32, #tpu.memory_space<vmem>>) offsets(%dma_start3A_31 : memref<128xi32, #tpu.memory_space<vmem>>) semaphore(%arg9 : memref<!tpu.dma_semaphore, #tpu.memory_space<semaphore_mem>>)
      %dma_start3A_35 = arith.constant 384 : i32
      %dma_start3A_36 = arith.constant 0 : i32
      %dma_start3A_37 = tpu.memref_slice %arg7[%dma_start3A_35, %dma_start3A_36] : memref<800x32xf32, #tpu.memory_space<vmem>> -> memref<128x32xf32, #tpu.memory_space<vmem>>
      %dma_start3A_38 = arith.constant 384 : i32
      %dma_start3A_39 = tpu.memref_slice %arg6[%dma_start3A_38] : memref<800xi32, #tpu.memory_space<vmem>> -> memref<128xi32, #tpu.memory_space<vmem>>
      %dma_start3A_40 = arith.constant 0 : i32
      %dma_start3A_41 = arith.constant 0 : i32
      %dma_start3A_42 = tpu.memref_slice %arg3[%dma_start3A_40, %dma_start3A_41] : memref<1000000x32xf32, #tpu.memory_space<hbm>> -> memref<1000000x32xf32, #tpu.memory_space<hbm>>
      tpu.enqueue_indirect_dma source(%dma_start3A_42 : memref<1000000x32xf32, #tpu.memory_space<hbm>>) target(%dma_start3A_37 : memref<128x32xf32, #tpu.memory_space<vmem>>) offsets(%dma_start3A_39 : memref<128xi32, #tpu.memory_space<vmem>>) semaphore(%arg9 : memref<!tpu.dma_semaphore, #tpu.memory_space<semaphore_mem>>)
      %dma_start3A_43 = arith.constant 512 : i32
      %dma_start3A_44 = arith.constant 0 : i32
      %dma_start3A_45 = tpu.memref_slice %arg7[%dma_start3A_43, %dma_start3A_44] : memref<800x32xf32, #tpu.memory_space<vmem>> -> memref<128x32xf32, #tpu.memory_space<vmem>>
      %dma_start3A_46 = arith.constant 512 : i32
      %dma_start3A_47 = tpu.memref_slice %arg6[%dma_start3A_46] : memref<800xi32, #tpu.memory_space<vmem>> -> memref<128xi32, #tpu.memory_space<vmem>>
      %dma_start3A_48 = arith.constant 0 : i32
      %dma_start3A_49 = arith.constant 0 : i32
      %dma_start3A_50 = tpu.memref_slice %arg3[%dma_start3A_48, %dma_start3A_49] : memref<1000000x32xf32, #tpu.memory_space<hbm>> -> memref<1000000x32xf32, #tpu.memory_space<hbm>>
      tpu.enqueue_indirect_dma source(%dma_start3A_50 : memref<1000000x32xf32, #tpu.memory_space<hbm>>) target(%dma_start3A_45 : memref<128x32xf32, #tpu.memory_space<vmem>>) offsets(%dma_start3A_47 : memref<128xi32, #tpu.memory_space<vmem>>) semaphore(%arg9 : memref<!tpu.dma_semaphore, #tpu.memory_space<semaphore_mem>>)
      %dma_start3A_51 = arith.constant 640 : i32
      %dma_start3A_52 = arith.constant 0 : i32
      %dma_start3A_53 = tpu.memref_slice %arg7[%dma_start3A_51, %dma_start3A_52] : memref<800x32xf32, #tpu.memory_space<vmem>> -> memref<128x32xf32, #tpu.memory_space<vmem>>
      %dma_start3A_54 = arith.constant 640 : i32
      %dma_start3A_55 = tpu.memref_slice %arg6[%dma_start3A_54] : memref<800xi32, #tpu.memory_space<vmem>> -> memref<128xi32, #tpu.memory_space<vmem>>
      %dma_start3A_56 = arith.constant 0 : i32
      %dma_start3A_57 = arith.constant 0 : i32
      %dma_start3A_58 = tpu.memref_slice %arg3[%dma_start3A_56, %dma_start3A_57] : memref<1000000x32xf32, #tpu.memory_space<hbm>> -> memref<1000000x32xf32, #tpu.memory_space<hbm>>
      tpu.enqueue_indirect_dma source(%dma_start3A_58 : memref<1000000x32xf32, #tpu.memory_space<hbm>>) target(%dma_start3A_53 : memref<128x32xf32, #tpu.memory_space<vmem>>) offsets(%dma_start3A_55 : memref<128xi32, #tpu.memory_space<vmem>>) semaphore(%arg9 : memref<!tpu.dma_semaphore, #tpu.memory_space<semaphore_mem>>)
      %dma_start3A_59 = arith.constant 768 : i32
      %dma_start3A_60 = arith.constant 0 : i32
      %dma_start3A_61 = tpu.memref_slice %arg7[%dma_start3A_59, %dma_start3A_60] : memref<800x32xf32, #tpu.memory_space<vmem>> -> memref<32x32xf32, #tpu.memory_space<vmem>>
      %dma_start3A_62 = arith.constant 768 : i32
      %dma_start3A_63 = tpu.memref_slice %arg6[%dma_start3A_62] : memref<800xi32, #tpu.memory_space<vmem>> -> memref<32xi32, #tpu.memory_space<vmem>>
      %dma_start3A_64 = arith.constant 0 : i32
      %dma_start3A_65 = arith.constant 0 : i32
      %dma_start3A_66 = tpu.memref_slice %arg3[%dma_start3A_64, %dma_start3A_65] : memref<1000000x32xf32, #tpu.memory_space<hbm>> -> memref<1000000x32xf32, #tpu.memory_space<hbm>>
      tpu.enqueue_indirect_dma source(%dma_start3A_66 : memref<1000000x32xf32, #tpu.memory_space<hbm>>) target(%dma_start3A_61 : memref<32x32xf32, #tpu.memory_space<vmem>>) offsets(%dma_start3A_63 : memref<32xi32, #tpu.memory_space<vmem>>) semaphore(%arg9 : memref<!tpu.dma_semaphore, #tpu.memory_space<semaphore_mem>>)
      %dma_wait3A = arith.constant 0 : i32
      %dma_wait3A_67 = arith.constant 0 : i32
      %dma_wait3A_68 = tpu.memref_slice %arg7[%dma_wait3A, %dma_wait3A_67] : memref<800x32xf32, #tpu.memory_space<vmem>> -> memref<128x32xf32, #tpu.memory_space<vmem>>
      %dma_wait3A_69 = arith.constant 0 : i32
      %dma_wait3A_70 = tpu.memref_slice %arg6[%dma_wait3A_69] : memref<800xi32, #tpu.memory_space<vmem>> -> memref<128xi32, #tpu.memory_space<vmem>>
      %dma_wait3A_71 = arith.constant 0 : i32
      %dma_wait3A_72 = arith.constant 0 : i32
      %dma_wait3A_73 = tpu.memref_slice %arg3[%dma_wait3A_71, %dma_wait3A_72] : memref<1000000x32xf32, #tpu.memory_space<hbm>> -> memref<1000000x32xf32, #tpu.memory_space<hbm>>
      tpu.wait_indirect_dma semaphore(%arg9 : memref<!tpu.dma_semaphore, #tpu.memory_space<semaphore_mem>>) src(%dma_wait3A_73 : memref<1000000x32xf32, #tpu.memory_space<hbm>>) dst(%dma_wait3A_68 : memref<128x32xf32, #tpu.memory_space<vmem>>)
      %dma_wait3A_74 = arith.constant 128 : i32
      %dma_wait3A_75 = arith.constant 0 : i32
      %dma_wait3A_76 = tpu.memref_slice %arg7[%dma_wait3A_74, %dma_wait3A_75] : memref<800x32xf32, #tpu.memory_space<vmem>> -> memref<128x32xf32, #tpu.memory_space<vmem>>
      %dma_wait3A_77 = arith.constant 128 : i32
      %dma_wait3A_78 = tpu.memref_slice %arg6[%dma_wait3A_77] : memref<800xi32, #tpu.memory_space<vmem>> -> memref<128xi32, #tpu.memory_space<vmem>>
      %dma_wait3A_79 = arith.constant 0 : i32
      %dma_wait3A_80 = arith.constant 0 : i32
      %dma_wait3A_81 = tpu.memref_slice %arg3[%dma_wait3A_79, %dma_wait3A_80] : memref<1000000x32xf32, #tpu.memory_space<hbm>> -> memref<1000000x32xf32, #tpu.memory_space<hbm>>
      tpu.wait_indirect_dma semaphore(%arg9 : memref<!tpu.dma_semaphore, #tpu.memory_space<semaphore_mem>>) src(%dma_wait3A_81 : memref<1000000x32xf32, #tpu.memory_space<hbm>>) dst(%dma_wait3A_76 : memref<128x32xf32, #tpu.memory_space<vmem>>)
      %dma_wait3A_82 = arith.constant 256 : i32
      %dma_wait3A_83 = arith.constant 0 : i32
      %dma_wait3A_84 = tpu.memref_slice %arg7[%dma_wait3A_82, %dma_wait3A_83] : memref<800x32xf32, #tpu.memory_space<vmem>> -> memref<128x32xf32, #tpu.memory_space<vmem>>
      %dma_wait3A_85 = arith.constant 256 : i32
      %dma_wait3A_86 = tpu.memref_slice %arg6[%dma_wait3A_85] : memref<800xi32, #tpu.memory_space<vmem>> -> memref<128xi32, #tpu.memory_space<vmem>>
      %dma_wait3A_87 = arith.constant 0 : i32
      %dma_wait3A_88 = arith.constant 0 : i32
      %dma_wait3A_89 = tpu.memref_slice %arg3[%dma_wait3A_87, %dma_wait3A_88] : memref<1000000x32xf32, #tpu.memory_space<hbm>> -> memref<1000000x32xf32, #tpu.memory_space<hbm>>
      tpu.wait_indirect_dma semaphore(%arg9 : memref<!tpu.dma_semaphore, #tpu.memory_space<semaphore_mem>>) src(%dma_wait3A_89 : memref<1000000x32xf32, #tpu.memory_space<hbm>>) dst(%dma_wait3A_84 : memref<128x32xf32, #tpu.memory_space<vmem>>)
      %dma_wait3A_90 = arith.constant 384 : i32
      %dma_wait3A_91 = arith.constant 0 : i32
      %dma_wait3A_92 = tpu.memref_slice %arg7[%dma_wait3A_90, %dma_wait3A_91] : memref<800x32xf32, #tpu.memory_space<vmem>> -> memref<128x32xf32, #tpu.memory_space<vmem>>
      %dma_wait3A_93 = arith.constant 384 : i32
      %dma_wait3A_94 = tpu.memref_slice %arg6[%dma_wait3A_93] : memref<800xi32, #tpu.memory_space<vmem>> -> memref<128xi32, #tpu.memory_space<vmem>>
      %dma_wait3A_95 = arith.constant 0 : i32
      %dma_wait3A_96 = arith.constant 0 : i32
      %dma_wait3A_97 = tpu.memref_slice %arg3[%dma_wait3A_95, %dma_wait3A_96] : memref<1000000x32xf32, #tpu.memory_space<hbm>> -> memref<1000000x32xf32, #tpu.memory_space<hbm>>
      tpu.wait_indirect_dma semaphore(%arg9 : memref<!tpu.dma_semaphore, #tpu.memory_space<semaphore_mem>>) src(%dma_wait3A_97 : memref<1000000x32xf32, #tpu.memory_space<hbm>>) dst(%dma_wait3A_92 : memref<128x32xf32, #tpu.memory_space<vmem>>)
      %dma_wait3A_98 = arith.constant 512 : i32
      %dma_wait3A_99 = arith.constant 0 : i32
      %dma_wait3A_100 = tpu.memref_slice %arg7[%dma_wait3A_98, %dma_wait3A_99] : memref<800x32xf32, #tpu.memory_space<vmem>> -> memref<128x32xf32, #tpu.memory_space<vmem>>
      %dma_wait3A_101 = arith.constant 512 : i32
      %dma_wait3A_102 = tpu.memref_slice %arg6[%dma_wait3A_101] : memref<800xi32, #tpu.memory_space<vmem>> -> memref<128xi32, #tpu.memory_space<vmem>>
      %dma_wait3A_103 = arith.constant 0 : i32
      %dma_wait3A_104 = arith.constant 0 : i32
      %dma_wait3A_105 = tpu.memref_slice %arg3[%dma_wait3A_103, %dma_wait3A_104] : memref<1000000x32xf32, #tpu.memory_space<hbm>> -> memref<1000000x32xf32, #tpu.memory_space<hbm>>
      tpu.wait_indirect_dma semaphore(%arg9 : memref<!tpu.dma_semaphore, #tpu.memory_space<semaphore_mem>>) src(%dma_wait3A_105 : memref<1000000x32xf32, #tpu.memory_space<hbm>>) dst(%dma_wait3A_100 : memref<128x32xf32, #tpu.memory_space<vmem>>)
      %dma_wait3A_106 = arith.constant 640 : i32
      %dma_wait3A_107 = arith.constant 0 : i32
      %dma_wait3A_108 = tpu.memref_slice %arg7[%dma_wait3A_106, %dma_wait3A_107] : memref<800x32xf32, #tpu.memory_space<vmem>> -> memref<128x32xf32, #tpu.memory_space<vmem>>
      %dma_wait3A_109 = arith.constant 640 : i32
      %dma_wait3A_110 = tpu.memref_slice %arg6[%dma_wait3A_109] : memref<800xi32, #tpu.memory_space<vmem>> -> memref<128xi32, #tpu.memory_space<vmem>>
      %dma_wait3A_111 = arith.constant 0 : i32
      %dma_wait3A_112 = arith.constant 0 : i32
      %dma_wait3A_113 = tpu.memref_slice %arg3[%dma_wait3A_111, %dma_wait3A_112] : memref<1000000x32xf32, #tpu.memory_space<hbm>> -> memref<1000000x32xf32, #tpu.memory_space<hbm>>
      tpu.wait_indirect_dma semaphore(%arg9 : memref<!tpu.dma_semaphore, #tpu.memory_space<semaphore_mem>>) src(%dma_wait3A_113 : memref<1000000x32xf32, #tpu.memory_space<hbm>>) dst(%dma_wait3A_108 : memref<128x32xf32, #tpu.memory_space<vmem>>)
      %dma_wait3A_114 = arith.constant 768 : i32
      %dma_wait3A_115 = arith.constant 0 : i32
      %dma_wait3A_116 = tpu.memref_slice %arg7[%dma_wait3A_114, %dma_wait3A_115] : memref<800x32xf32, #tpu.memory_space<vmem>> -> memref<32x32xf32, #tpu.memory_space<vmem>>
      %dma_wait3A_117 = arith.constant 768 : i32
      %dma_wait3A_118 = tpu.memref_slice %arg6[%dma_wait3A_117] : memref<800xi32, #tpu.memory_space<vmem>> -> memref<32xi32, #tpu.memory_space<vmem>>
      %dma_wait3A_119 = arith.constant 0 : i32
      %dma_wait3A_120 = arith.constant 0 : i32
      %dma_wait3A_121 = tpu.memref_slice %arg3[%dma_wait3A_119, %dma_wait3A_120] : memref<1000000x32xf32, #tpu.memory_space<hbm>> -> memref<1000000x32xf32, #tpu.memory_space<hbm>>
      tpu.wait_indirect_dma semaphore(%arg9 : memref<!tpu.dma_semaphore, #tpu.memory_space<semaphore_mem>>) src(%dma_wait3A_121 : memref<1000000x32xf32, #tpu.memory_space<hbm>>) dst(%dma_wait3A_116 : memref<32x32xf32, #tpu.memory_space<vmem>>)
      %scan3A_122 = arith.constant 0 : i32
      %scan3A_123 = arith.constant 0 : i32
      %scan3A_124 = arith.constant 200 : i32
      %scan3A_125 = arith.addi %scan3A_123, %scan3A_124 : i32
      %scan3A_126 = arith.constant 1 : i32
      scf.for %scan3A_136 = %scan3A_123 to %scan3A_125 step %scan3A_126  : i32 {
        %get3A = arith.index_cast %scan3A_136 : i32 to index
        %get3A_137 = arith.constant 0 : index
        %get3A_138 = tpu.vector_load %arg8[%get3A, %get3A_137] {strides = array<i32>} : memref<200x32xf32, #tpu.memory_space<vmem>>, vector<1x16xf32>,
        %get3A_139 = vector.shape_cast %get3A_138 : vector<1x16xf32> to vector<16xf32>
        %get3A_140 = arith.index_cast %scan3A_136 : i32 to index
        %get3A_141 = arith.constant 16 : index
        %get3A_142 = tpu.vector_load %arg8[%get3A_140, %get3A_141] {strides = array<i32>} : memref<200x32xf32, #tpu.memory_space<vmem>>, vector<1x16xf32>,
        %get3A_143 = vector.shape_cast %get3A_142 : vector<1x16xf32> to vector<16xf32>
        %add3A_144 = arith.constant 0 : i32
        %add3A_145 = arith.addi %add3A_144, %scan3A_136 : i32
        %get3A_146 = arith.index_cast %add3A_145 : i32 to index
        %get3A_147 = arith.constant 0 : index
        %get3A_148 = tpu.vector_load %arg7[%get3A_146, %get3A_147] {strides = array<i32>} : memref<800x32xf32, #tpu.memory_space<vmem>>, vector<1x16xf32>,
        %get3A_149 = vector.shape_cast %get3A_148 : vector<1x16xf32> to vector<16xf32>
        %add3A_150 = arith.addf %get3A_149, %get3A_139 : vector<16xf32>
        %swap3A = arith.index_cast %add3A_145 : i32 to index
        %swap3A_151 = arith.constant 0 : index
        %swap3A_152 = tpu.vector_load %arg7[%swap3A, %swap3A_151] {strides = array<i32>} : memref<800x32xf32, #tpu.memory_space<vmem>>, vector<1x16xf32>,
        %swap3A_153 = vector.shape_cast %swap3A_152 : vector<1x16xf32> to vector<16xf32>
        %swap3A_154 = vector.shape_cast %add3A_150 : vector<16xf32> to vector<1x16xf32>
        tpu.vector_store %arg7[%swap3A, %swap3A_151], %swap3A_154 {strides = array<i32>} : memref<800x32xf32, #tpu.memory_space<vmem>>, vector<1x16xf32>,
        %get3A_155 = arith.index_cast %add3A_145 : i32 to index
        %get3A_156 = arith.constant 16 : index
        %get3A_157 = tpu.vector_load %arg7[%get3A_155, %get3A_156] {strides = array<i32>} : memref<800x32xf32, #tpu.memory_space<vmem>>, vector<1x16xf32>,
        %get3A_158 = vector.shape_cast %get3A_157 : vector<1x16xf32> to vector<16xf32>
        %add3A_159 = arith.addf %get3A_158, %get3A_143 : vector<16xf32>
        %swap3A_160 = arith.index_cast %add3A_145 : i32 to index
        %swap3A_161 = arith.constant 16 : index
        %swap3A_162 = tpu.vector_load %arg7[%swap3A_160, %swap3A_161] {strides = array<i32>} : memref<800x32xf32, #tpu.memory_space<vmem>>, vector<1x16xf32>,
        %swap3A_163 = vector.shape_cast %swap3A_162 : vector<1x16xf32> to vector<16xf32>
        %swap3A_164 = vector.shape_cast %add3A_159 : vector<16xf32> to vector<1x16xf32>
        tpu.vector_store %arg7[%swap3A_160, %swap3A_161], %swap3A_164 {strides = array<i32>} : memref<800x32xf32, #tpu.memory_space<vmem>>, vector<1x16xf32>,
        %add3A_165 = arith.constant 200 : i32
        %add3A_166 = arith.addi %add3A_165, %scan3A_136 : i32
        %get3A_167 = arith.index_cast %add3A_166 : i32 to index
        %get3A_168 = arith.constant 0 : index
        %get3A_169 = tpu.vector_load %arg7[%get3A_167, %get3A_168] {strides = array<i32>} : memref<800x32xf32, #tpu.memory_space<vmem>>, vector<1x16xf32>,
        %get3A_170 = vector.shape_cast %get3A_169 : vector<1x16xf32> to vector<16xf32>
        %add3A_171 = arith.addf %get3A_170, %get3A_139 : vector<16xf32>
        %swap3A_172 = arith.index_cast %add3A_166 : i32 to index
        %swap3A_173 = arith.constant 0 : index
        %swap3A_174 = tpu.vector_load %arg7[%swap3A_172, %swap3A_173] {strides = array<i32>} : memref<800x32xf32, #tpu.memory_space<vmem>>, vector<1x16xf32>,
        %swap3A_175 = vector.shape_cast %swap3A_174 : vector<1x16xf32> to vector<16xf32>
        %swap3A_176 = vector.shape_cast %add3A_171 : vector<16xf32> to vector<1x16xf32>
        tpu.vector_store %arg7[%swap3A_172, %swap3A_173], %swap3A_176 {strides = array<i32>} : memref<800x32xf32, #tpu.memory_space<vmem>>, vector<1x16xf32>,
        %get3A_177 = arith.index_cast %add3A_166 : i32 to index
        %get3A_178 = arith.constant 16 : index
        %get3A_179 = tpu.vector_load %arg7[%get3A_177, %get3A_178] {strides = array<i32>} : memref<800x32xf32, #tpu.memory_space<vmem>>, vector<1x16xf32>,
        %get3A_180 = vector.shape_cast %get3A_179 : vector<1x16xf32> to vector<16xf32>
        %add3A_181 = arith.addf %get3A_180, %get3A_143 : vector<16xf32>
        %swap3A_182 = arith.index_cast %add3A_166 : i32 to index
        %swap3A_183 = arith.constant 16 : index
        %swap3A_184 = tpu.vector_load %arg7[%swap3A_182, %swap3A_183] {strides = array<i32>} : memref<800x32xf32, #tpu.memory_space<vmem>>, vector<1x16xf32>,
        %swap3A_185 = vector.shape_cast %swap3A_184 : vector<1x16xf32> to vector<16xf32>
        %swap3A_186 = vector.shape_cast %add3A_181 : vector<16xf32> to vector<1x16xf32>
        tpu.vector_store %arg7[%swap3A_182, %swap3A_183], %swap3A_186 {strides = array<i32>} : memref<800x32xf32, #tpu.memory_space<vmem>>, vector<1x16xf32>,
        %add3A_187 = arith.constant 400 : i32
        %add3A_188 = arith.addi %add3A_187, %scan3A_136 : i32
        %get3A_189 = arith.index_cast %add3A_188 : i32 to index
        %get3A_190 = arith.constant 0 : index
        %get3A_191 = tpu.vector_load %arg7[%get3A_189, %get3A_190] {strides = array<i32>} : memref<800x32xf32, #tpu.memory_space<vmem>>, vector<1x16xf32>,
        %get3A_192 = vector.shape_cast %get3A_191 : vector<1x16xf32> to vector<16xf32>
        %add3A_193 = arith.addf %get3A_192, %get3A_139 : vector<16xf32>
        %swap3A_194 = arith.index_cast %add3A_188 : i32 to index
        %swap3A_195 = arith.constant 0 : index
        %swap3A_196 = tpu.vector_load %arg7[%swap3A_194, %swap3A_195] {strides = array<i32>} : memref<800x32xf32, #tpu.memory_space<vmem>>, vector<1x16xf32>,
        %swap3A_197 = vector.shape_cast %swap3A_196 : vector<1x16xf32> to vector<16xf32>
        %swap3A_198 = vector.shape_cast %add3A_193 : vector<16xf32> to vector<1x16xf32>
        tpu.vector_store %arg7[%swap3A_194, %swap3A_195], %swap3A_198 {strides = array<i32>} : memref<800x32xf32, #tpu.memory_space<vmem>>, vector<1x16xf32>,
        %get3A_199 = arith.index_cast %add3A_188 : i32 to index
        %get3A_200 = arith.constant 16 : index
        %get3A_201 = tpu.vector_load %arg7[%get3A_199, %get3A_200] {strides = array<i32>} : memref<800x32xf32, #tpu.memory_space<vmem>>, vector<1x16xf32>,
        %get3A_202 = vector.shape_cast %get3A_201 : vector<1x16xf32> to vector<16xf32>
        %add3A_203 = arith.addf %get3A_202, %get3A_143 : vector<16xf32>
        %swap3A_204 = arith.index_cast %add3A_188 : i32 to index
        %swap3A_205 = arith.constant 16 : index
        %swap3A_206 = tpu.vector_load %arg7[%swap3A_204, %swap3A_205] {strides = array<i32>} : memref<800x32xf32, #tpu.memory_space<vmem>>, vector<1x16xf32>,
        %swap3A_207 = vector.shape_cast %swap3A_206 : vector<1x16xf32> to vector<16xf32>
        %swap3A_208 = vector.shape_cast %add3A_203 : vector<16xf32> to vector<1x16xf32>
        tpu.vector_store %arg7[%swap3A_204, %swap3A_205], %swap3A_208 {strides = array<i32>} : memref<800x32xf32, #tpu.memory_space<vmem>>, vector<1x16xf32>,
        %add3A_209 = arith.constant 600 : i32
        %add3A_210 = arith.addi %add3A_209, %scan3A_136 : i32
        %get3A_211 = arith.index_cast %add3A_210 : i32 to index
        %get3A_212 = arith.constant 0 : index
        %get3A_213 = tpu.vector_load %arg7[%get3A_211, %get3A_212] {strides = array<i32>} : memref<800x32xf32, #tpu.memory_space<vmem>>, vector<1x16xf32>,
        %get3A_214 = vector.shape_cast %get3A_213 : vector<1x16xf32> to vector<16xf32>
        %add3A_215 = arith.addf %get3A_214, %get3A_139 : vector<16xf32>
        %swap3A_216 = arith.index_cast %add3A_210 : i32 to index
        %swap3A_217 = arith.constant 0 : index
        %swap3A_218 = tpu.vector_load %arg7[%swap3A_216, %swap3A_217] {strides = array<i32>} : memref<800x32xf32, #tpu.memory_space<vmem>>, vector<1x16xf32>,
        %swap3A_219 = vector.shape_cast %swap3A_218 : vector<1x16xf32> to vector<16xf32>
        %swap3A_220 = vector.shape_cast %add3A_215 : vector<16xf32> to vector<1x16xf32>
        tpu.vector_store %arg7[%swap3A_216, %swap3A_217], %swap3A_220 {strides = array<i32>} : memref<800x32xf32, #tpu.memory_space<vmem>>, vector<1x16xf32>,
        %get3A_221 = arith.index_cast %add3A_210 : i32 to index
        %get3A_222 = arith.constant 16 : index
        %get3A_223 = tpu.vector_load %arg7[%get3A_221, %get3A_222] {strides = array<i32>} : memref<800x32xf32, #tpu.memory_space<vmem>>, vector<1x16xf32>,
        %get3A_224 = vector.shape_cast %get3A_223 : vector<1x16xf32> to vector<16xf32>
        %add3A_225 = arith.addf %get3A_224, %get3A_143 : vector<16xf32>
        %swap3A_226 = arith.index_cast %add3A_210 : i32 to index
        %swap3A_227 = arith.constant 16 : index
        %swap3A_228 = tpu.vector_load %arg7[%swap3A_226, %swap3A_227] {strides = array<i32>} : memref<800x32xf32, #tpu.memory_space<vmem>>, vector<1x16xf32>,
        %swap3A_229 = vector.shape_cast %swap3A_228 : vector<1x16xf32> to vector<16xf32>
        %swap3A_230 = vector.shape_cast %add3A_225 : vector<16xf32> to vector<1x16xf32>
        tpu.vector_store %arg7[%swap3A_226, %swap3A_227], %swap3A_230 {strides = array<i32>} : memref<800x32xf32, #tpu.memory_space<vmem>>, vector<1x16xf32>,
      }
      %scan3A_127 = arith.constant 200 : i32
      %dma_start3A_128 = arith.constant 0 : i32
      %dma_start3A_129 = tpu.memref_slice %arg5[%add3A_11, %dma_start3A_128] : memref<819200x32xf32, #tpu.memory_space<hbm>> -> memref<800x32xf32, #tpu.memory_space<hbm>>
      %dma_start3A_130 = arith.constant 0 : i32
      %dma_start3A_131 = tpu.memref_slice %arg5[%add3A_11, %dma_start3A_130] : memref<819200x32xf32, #tpu.memory_space<hbm>> -> memref<800x32xf32, #tpu.memory_space<hbm>>
      tpu.enqueue_dma source(%arg7 : memref<800x32xf32, #tpu.memory_space<vmem>>) target(%dma_start3A_131 : memref<800x32xf32, #tpu.memory_space<hbm>>) target_semaphore(%arg10 : memref<!tpu.dma_semaphore, #tpu.memory_space<semaphore_mem>>)
      %dma_wait3A_132 = arith.constant 0 : i32
      %dma_wait3A_133 = tpu.memref_slice %arg5[%add3A_11, %dma_wait3A_132] : memref<819200x32xf32, #tpu.memory_space<hbm>> -> memref<800x32xf32, #tpu.memory_space<hbm>>
      %dma_wait3A_134 = arith.constant 0 : i32
      %dma_wait3A_135 = tpu.memref_slice %arg5[%add3A_11, %dma_wait3A_134] : memref<819200x32xf32, #tpu.memory_space<hbm>> -> memref<800x32xf32, #tpu.memory_space<hbm>>
      tpu.wait_dma2 semaphore(%arg10 : memref<!tpu.dma_semaphore, #tpu.memory_space<semaphore_mem>>) src(%arg7 : memref<800x32xf32, #tpu.memory_space<vmem>>) dst(%dma_wait3A_135 : memref<800x32xf32, #tpu.memory_space<hbm>>)
    }
    %scan3A_7 = arith.constant 32 : i32
    return
  }
}

</mosaic_0001>

<sc_bundles>
// kernel: kernel.3.cloned.1.call-start
scs
__scs_entry_jumppad:
0x0: {  	(pc) =	sbr.rel $0x88, $3  }
0x1: {  	(tag) =	ssettag $0x0;
	lr =	simm.s32 $0x1  }
0x2: {  	[smem:$0x3F9E] =	sst lr;
	_ =	strace $0xD0000000  }
0x3: {  	_ = 	snop  }
0x4: {  	_ = 	snop  }
0x5: {  	_ = 	snop  }
0x6: {  	_ = 	snop  }
0x7: {  	_ = 	snop  }
__scs_overlays_trampoline_lowered:
0x8: {  	[smem:$0x3FAD] =	sst s0  }
0x9: {  	[smem:$0x3FAE] =	sst s1  }
0xa: {  	[smem:$0x3FAF] =	sst s2  }
0xb: {  	[smem:$0x3FB0] =	sst s3  }
0xc: {  	[smem:$0x3FB1] =	sst s4  }
0xd: {  	[smem:$0x3FB2] =	sst s5  }
0xe: {  	[smem:$0x3FB3] =	sst s6  }
0xf: {  	[smem:$0x3FB4] =	sst s7  }
0x10: {  	[smem:$0x3FB5] =	sst s8  }
0x11: {  	[smem:$0x3FB6] =	sst s9;
	s0 =	simm.s32 @!p0 $0x0  }
0x12: {  	s1 =	sld [smem:$0x3F9C];
	s0 =	simm.s32 @p0 $0x1  }
0x13: {  	[smem:$0x3FB7] =	sst s0;
	s0 =	simm.s32 @!p1 $0x0  }
0x14: {  	s2 =	sld [smem:$0x3F9B];
	s0 =	simm.s32 @p1 $0x1  }
0x15: {  	[smem:$0x3FB8] =	sst s0;
	s0 =	simm.s32 @!p2 $0x0  }
0x16: {  	s3 =	sld [smem:$0x3FDB];
	s0 =	simm.s32 @p2 $0x1  }
0x17: {  	s4 =	simm.s32 $0x1BF5;
	[smem:$0x3FBA] =	sst s0  }
0x18: {  	s0 =	sld [smem:$0x3F9D];
	_ =	swait.ge [sflag:s4], $0x0  }
0x19: {  	s7 =	sld [smem:$0x3F9E]  }
0x1a: {  	s8 =	sadd.s32 $0xFFFFE003, lr  }
0x1b: {  	s9 =	sadd.s32 $0xFFFFFEF7, lr;
	s5 =	simm.s32 $0xFFFFFFFF;
	p2 =	slt.u32 s8, $0xFFFFF086  }
0x1c: {  	p1 =	slt.u32 s9, $0xF7A;
	s5 =	simm.s32 @!p2 $0x0  }
0x1d: {  	s5 =	simm.s32 @p1 $0x1;
	p0 =	seq.s32 s7, s2  }
0x1e: {  	s7 =	smul.u32 @!p0 $0xF7A, s2;
	p2 =	seq.s32 @!p0 s5, $0x0  }
0x1f: {  	s9 =	smul.u32 $0xF7A, s1;
	s8 =	simm.s32 @!p0 $0x1BF5;
	p2 =	por !p2, p0  }
0x20: {  	[sflag:s8] =	ssyncset.s32 @!p0 $0xFFFFF086;
	s6 =	sadd.s32 @!p0 s3, s7;
	s7 =	simm.s32 @!p0 $0x108  }
0x21: {  	s3 =	sadd.s32 s3, s9;
	s6 =	sadd.s32 @!p0 $0x88, s6;
	s7 =	simm.s32 @p2 $0x1082  }
0x22: {  	[simem:s7], [sflag:s8] =	dma.local @!p0 [hbm:s6], $0xF7A  }
0x23: {  	s9 =	sor.u32 $0xD0000000, s2;
	s6 =	simm.s32 $0x108;
	_ =	swait.ge @!p0 [sflag:s8], $0x0  }
0x24: {  	s3 =	sadd.s32 $0x88, s3;
	s6 =	simm.s32 @!p1 $0x1082;
	[sflag:s4] =	ssyncset.s32 $0xFFFFF086  }
0x25: {  	[simem:s6], [sflag:s4] =	dma.local [hbm:s3], $0xF7A  }
0x26: {  	[smem:$0x3F9E] =	sst s1;
	(tag) =	ssettag s2;
	_ =	strace s9  }
0x27: {  	s1 =	sld [smem:$0x3FAE]  }
0x28: {  	s2 =	sld [smem:$0x3FAF]  }
0x29: {  	s4 =	sld [smem:$0x3FB1]  }
0x2a: {  	p0 =	seq.s32 s5, $0x0;
	s5 =	sld [smem:$0x3FB2]  }
0x2b: {  	s6 =	sld [smem:$0x3FB3]  }
0x2c: {  	s7 =	sld [smem:$0x3FB4]  }
0x2d: {  	s3 =	simm.s32 $0x108;
	s8 =	sld [smem:$0x3FB5]  }
0x2e: {  	s3 =	simm.s32 @!p0 $0x1082;
	s9 =	sld [smem:$0x3FB6]  }
0x2f: {  	lr =	sadd.s32 s0, s3;
	s0 =	sld [smem:$0x3FAD]  }
0x30: {  	s3 =	sld [smem:$0x3FB0]  }
0x31: {  	[smem:$0x3FB9] =	sst s10  }
0x32: {  	s10 =	sld [smem:$0x3FB7];
	_ =	sdelay $0x3  }
0x33: {  	p0 =	seq.s32 s10, $0x1;
	s10 =	sld [smem:$0x3FB9];
	_ =	sdelay $0x3  }
0x34: {  	[smem:$0x3FB9] =	sst s10  }
0x35: {  	s10 =	sld [smem:$0x3FB8];
	_ =	sdelay $0x3  }
0x36: {  	p1 =	seq.s32 s10, $0x1;
	s10 =	sld [smem:$0x3FB9];
	_ =	sdelay $0x3  }
0x37: {  	[smem:$0x3FB9] =	sst s10  }
0x38: {  	s10 =	sld [smem:$0x3FBA]  }
0x39: {  	_ = 	snop;
	(pc) =	sbr.ind lr, $3  }
0x3a: {  	_ = 	snop  }
0x3b: {  	_ = 	snop  }
0x3c: {  	p2 =	seq.s32 s10, $0x1;
	s10 =	sld [smem:$0x3FB9]  }
0x3d: {  	_ =	shalt  }
0x3e: {  	_ =	shalt  }
0x3f: {  	_ =	shalt  }
0x40: {  	_ =	shalt  }
0x41: {  	_ =	shalt  }
0x42: {  	_ =	shalt  }
0x43: {  	_ =	shalt  }
0x44: {  	_ =	shalt  }
0x45: {  	_ =	shalt  }
0x46: {  	_ =	shalt  }
0x47: {  	_ =	shalt  }
0x48: {  	_ =	shalt  }
0x49: {  	_ =	shalt  }
0x4a: {  	_ =	shalt  }
0x4b: {  	_ =	shalt  }
0x4c: {  	_ =	shalt  }
0x4d: {  	_ =	shalt  }
0x4e: {  	_ =	shalt  }
0x4f: {  	_ =	shalt  }
0x50: {  	_ =	shalt  }
0x51: {  	_ =	shalt  }
0x52: {  	_ =	shalt  }
0x53: {  	_ =	shalt  }
0x54: {  	_ =	shalt  }
0x55: {  	_ =	shalt  }
0x56: {  	_ =	shalt  }
0x57: {  	_ =	shalt  }
0x58: {  	_ =	shalt  }
0x59: {  	_ =	shalt  }
0x5a: {  	_ =	shalt  }
0x5b: {  	_ =	shalt  }
0x5c: {  	_ =	shalt  }
0x5d: {  	_ =	shalt  }
0x5e: {  	_ =	shalt  }
0x5f: {  	_ =	shalt  }
0x60: {  	_ =	shalt  }
0x61: {  	_ =	shalt  }
0x62: {  	_ =	shalt  }
0x63: {  	_ =	shalt  }
0x64: {  	_ =	shalt  }
0x65: {  	_ =	shalt  }
0x66: {  	_ =	shalt  }
0x67: {  	_ =	shalt  }
0x68: {  	_ =	shalt  }
0x69: {  	_ =	shalt  }
0x6a: {  	_ =	shalt  }
0x6b: {  	_ =	shalt  }
0x6c: {  	_ =	shalt  }
0x6d: {  	_ =	shalt  }
0x6e: {  	_ =	shalt  }
0x6f: {  	_ =	shalt  }
0x70: {  	_ =	shalt  }
0x71: {  	_ =	shalt  }
0x72: {  	_ =	shalt  }
0x73: {  	_ =	shalt  }
0x74: {  	_ =	shalt  }
0x75: {  	_ =	shalt  }
0x76: {  	_ =	shalt  }
0x77: {  	_ =	shalt  }
0x78: {  	_ =	shalt  }
0x79: {  	_ =	shalt  }
0x7a: {  	_ =	shalt  }
0x7b: {  	_ =	shalt  }
0x7c: {  	_ =	shalt  }
0x7d: {  	_ =	shalt  }
0x7e: {  	_ =	shalt  }
0x7f: {  	_ =	shalt  }
0x80: {  	_ =	shalt  }
0x81: {  	_ =	shalt  }
0x82: {  	_ =	shalt  }
0x83: {  	_ =	shalt  }
0x84: {  	_ =	shalt  }
0x85: {  	_ =	shalt  }
0x86: {  	_ =	shalt  }
0x87: {  	_ =	shalt  }
.Lfunc_end0:
.L_simem_size_0:
called_computation.1_lowered:
.L_overlay_start_0:
0x88: {  	s2 =	sld [smem:$0x3FD9]  }
0x89: {  	s3 =	sld [smem:$0x3FFE];
	_ =	sdelay $0x1  }
0x8a: {  	s1 =	srdreg.scid  }
0x8b: {  	s0 =	sand.u32 $0x1, s1  }
0x8c: {  	s17 =	sshll.u32 s0, $0xA;
	s2 =	sadd.s32 s3, s2  }
0x8d: {  	s2 =	sadd.s32 s2, s17  }
0x8e: {  	[smem:$0x3FC5] =	sst s2  }
0x8f: {  	_ = 	snop  }
0x90: {  	s2 =	sld [smem:$0x3FD0];
	(tm) =	ssettm $0x1  }
0x91: {  	s18 =	sld [smem:$0x3FFB];
	_ =	sdelay $0x3  }
0x92: {  	_ =	strace s18  }
0x93: {  	s3 =	sld [smem:$0x3FFC];
	_ =	sdelay $0x3  }
0x94: {  	_ =	strace s3  }
0x95: {  	s3 =	sld [smem:$0x3FFD];
	_ =	sdelay $0x3  }
0x96: {  	_ =	strace s3  }
0x97: {  	_ =	strace $0x8FFFFFFF  }
0x98: {  	s19 =	sld [smem:$0x3FDB];
	_ =	sdelay $0x1  }
0x99: {  	s4 =	simm.s32 $_scs_section_size  }
0x9a: {  	s5 =	simm.s32 $_size__tile_overlayer_lowered;
	s6 =	simm.s32 $_tile_overlayer_lowered  }
0x9b: {  	s22 =	simm.s32 $0x1BFF;
	s21 =	sshll.u32 s6, $0x1;
	s3 =	sadd.s32 s4, s19  }
0x9c: {  	s7 =	simm.s32 $0x0;
	s20 =	sshll.u32 s5, $0x1;
	s5 =	sadd.s32 s21, s3  }
0x9d: {  	[timem:s7], [sflag:s22] =	dma.local [hbm:s5], s20  }
0x9e: {  	_ =	swait.ge [sflag:s22], s20  }
0x9f: {  	s4 =	ssub.s32 $0x0, s20;
	[sflag:s22] =	ssyncset.done $0x0  }
0xa0: {  	[sflag:s22] =	ssyncadd.s32 s4;
	_ =	sdelay $0x1  }
0xa1: {  	s23 =	simm.s32 $0x1B8B  }
0xa2: {  	_ =	swait.ge [sflag:s23], $0x1  }
0xa3: {  	[sflag:s23] =	ssyncset.done $0x0  }
0xa4: {  	s25 =	simm.s32 $0x1B8E;
	s24 =	sld [smem:$0x3FFE];
	[sflag:s23] =	ssyncadd.s32 $0xFFFFFFFF  }
0xa5: {  	s26 =	simm.s32 $execute0_lowered;
	[smem:$0x3FD2] =	sst s25  }
0xa6: {  	s5 =	sshll.u32 s26, $0x1;
	_ =	strace $0x80000046;
	[dreg:$0x1] =	wrdreg $0xFFFFFFFF  }
0xa7: {  	s28 =	simm.s32 $_size_execute0_lowered;
	s3 =	sadd.s32 s3, s5;
	[dreg:$0x0] =	wrdreg $0x0  }
0xa8: {  	s5 =	sshll.u32 s28, $0x1;
	[dreg:$0x2] =	wrdreg s3  }
0xa9: {  	[dreg:$0x3] =	wrdreg s5  }
0xaa: {  	[dreg:$0x4] =	wrdreg $0xC0  }
0xab: {  	_ =	task [dreg:s7], $0x5FFFF  }
0xac: {  	[dreg:$0x1] =	wrdreg $0xFFFFFFFF  }
0xad: {  	[dreg:$0x0] =	wrdreg $0x60  }
0xae: {  	[dreg:$0x2] =	wrdreg s24  }
0xaf: {  	[dreg:$0x3] =	wrdreg s2  }
0xb0: {  	[dreg:$0x4] =	wrdreg $0x9  }
0xb1: {  	_ =	task.clear_ibuf [dreg:s7], $0x5FFFF;
	_ =	strace $0x90000046  }
0xb2: {  	s29 =	simm.s32 $0x9;
	_ =	strace $0x80000048  }
0xb3: {  	_ =	swait.ge [sflag:s29], $0x1  }
0xb4: {  	[sflag:s29] =	ssyncadd.s32 $0xFFFFFFFF  }
0xb5: {  	_ =	strace $0x90000048  }
0xb6: {  	_ =	sfence  }
0xb7: {  	s30 =	sld [smem:$0x0];
	_ =	sdelay $0x2  }
0xb8: {  	s31 =	sshll.u32 s1, $0xD;
	s1 =	sshrl.u32 s1, $0x2  }
0xb9: {  	s3 =	sand.u32 $0x4000, s31;
	s1 =	sadd.s32 s1, s30  }
0xba: {  	s0 =	sor.u32 s3, s0;
	s1 =	sshll.u32 s1, $0x11  }
0xbb: {  	s0 =	sor.u32 s1, s0  }
0xbc: {  	s0 =	sadd.s32 $0x8F2B, s0  }
0xbd: {  	[sflag:s0] =	ssyncadd.remote.s32 $0x1  }
0xbe: {  	_ =	sfence.sel $0xFFFF  }
0xbf: {  	[dreg:$0x0] =	wrdreg $0xFFFFFFFF;
	(pc) =	sbr.abs _section_cstart, $3  }
0xc0: {  	[dreg:$0x1] =	wrdreg $0xFFFFFFFF  }
0xc1: {  	_ =	task.clear_ibuf [dreg:s7], $0x2FFFF;
	_ =	strace $0x9FFFFFFF  }
0xc2: {  	(tm) =	ssettm $0x7FFFFFFF  }
0xc3: {  	_ =	shalt  }
tec
execute0_lowered:
.L_overlay_start_1:
0x0: {  	(tag) =	ssettag $0x1  }
0x1: {  	s0 =	rddreg [dreg:$0x0]  }
0x2: {  	s1 =	rddreg [dreg:$0x1];
	s2 =	simm.s32 $0x0;
	s3 =	srdreg.scid  }
0x3: {  	s30 =	stileid.u32;
	s11 =	simm.s32 $0x80;
	s12 =	simm.s32 $0x320  }
0x4: {  	s13 =	simm.s32 $0x1320;
	s14 =	simm.s32 $0x100;
	s15 =	simm.s32 $0x2320  }
0x5: {  	s16 =	simm.s32 $0x180;
	s17 =	simm.s32 $0x3320;
	s18 =	simm.s32 $0x200  }
0x6: {  	s19 =	simm.s32 $0x4320;
	s20 =	simm.s32 $0x280;
	s21 =	simm.s32 $0x5320  }
0x7: {  	s22 =	simm.s32 $0x20;
	s23 =	simm.s32 $0x300;
	s24 =	simm.s32 $0x6320  }
0x8: {  	s25 =	simm.s32 $0x1;
	s26 =	simm.s32 $0x2;
	s28 =	simm.s32 $0x0  }
0x9: {  	[smem:$0x7FF] =	sst s2;
	s7 =	sand.u32 $0x1, s3;
	s4 =	sadd.s32 $0xC00, s0  }
0xa: {  	s5 =	sadd.s32 $0xF43000, s0;
	s10 =	sshll.u32 s30, $0x1;
	s8 =	ssub.s32 $0x2, s7  }
0xb: {  	s6 =	sadd.s32 $0x19C00, s0;
	_ =	strace $0x80000047;
	s9 =	sshrl.u32 s8, $0x1  }
0xc: {  	s7 =	sor.u32 s7, s10;
	s10 =	simm.s32 $0x3;
	s31 =	ssub.s32 s8, s9  }
0xd: {  	s7 =	smul.u32 $0x6400, s7;
	s9 =	simm.s32 $0x6720;
	s8 =	smax.u32 s31, $0x1  }
.LBB2_1:
0xe: {  	[tilespmem:s9], [sflag:$0x3] =	stream.linear.gather [hbm4b:s6+s2], $0x1900, $0x38;
	[tilespmem:$0x8020] =	vst v63  }
0xf: {  	_ =	swait.ge [sflag:s10], $0x1900  }
0x10: {  	[sflag:s10] =	ssyncset.done $0x0  }
0x11: {  	s29 =	simm.s32 $0x0;
	[sflag:s10] =	ssyncadd.s32 $0xFFFFE700  }
.LBB2_2:
0x12: {  	s0 =	smul.u32 $0x320, s29;
	_ =	sdelay $0x1  }
0x13: {  	s30 =	sadd.s32 s7, s0  }
0x14: {  	s0 =	sshrl.u32 s30, $0x3  }
0x15: {  	s31 =	simm.s32 $0x0;
	s0 =	sadd.s32 s4, s0  }
0x16: {  	[tilespmem:s31], [sflag:$0x3] =	stream.linear.gather [hbm4b:s0+s31], $0x320, $0x38;
	[tilespmem:$0x8020] =	vst v63  }
0x17: {  	_ =	swait.ge [sflag:s10], $0x320  }
0x18: {  	[sflag:s10] =	ssyncset.done $0x0  }
0x19: {  	[sflag:s10] =	ssyncadd.s32 $0xFFFFFCE0  }
0x1a: {  	[tilespmem:s12], [sflag:$0x1] =	stream.indirect.gather [hbm4b:s5+s11], $0x20, s31, s11, $0xb8;
	[tilespmem:$0x8020] =	vst v63  }
0x1b: {  	_ = 	snop  }
0x1c: {  	[tilespmem:s13], [sflag:$0x1] =	stream.indirect.gather [hbm4b:s5+s11], $0x20, s11, s11, $0xb8;
	[tilespmem:$0x8020] =	vst v63  }
0x1d: {  	_ = 	snop  }
0x1e: {  	[tilespmem:s15], [sflag:$0x1] =	stream.indirect.gather [hbm4b:s5+s11], $0x20, s14, s11, $0xb8;
	[tilespmem:$0x8020] =	vst v63  }
0x1f: {  	_ = 	snop  }
0x20: {  	[tilespmem:s17], [sflag:$0x1] =	stream.indirect.gather [hbm4b:s5+s11], $0x20, s16, s11, $0xb8;
	[tilespmem:$0x8020] =	vst v63  }
0x21: {  	_ = 	snop  }
0x22: {  	[tilespmem:s19], [sflag:$0x1] =	stream.indirect.gather [hbm4b:s5+s11], $0x20, s18, s11, $0xb8;
	[tilespmem:$0x8020] =	vst v63  }
0x23: {  	_ = 	snop  }
0x24: {  	[tilespmem:s21], [sflag:$0x1] =	stream.indirect.gather [hbm4b:s5+s11], $0x20, s20, s11, $0xb8;
	[tilespmem:$0x8020] =	vst v63  }
0x25: {  	_ = 	snop  }
0x26: {  	[tilespmem:s24], [sflag:$0x1] =	stream.indirect.gather [hbm4b:s5+s22], $0x20, s23, s22, $0xb8;
	[tilespmem:$0x8020] =	vst v63  }
0x27: {  	_ =	swait.ge [sflag:s25], $0x1000  }
0x28: {  	[sflag:s25] =	ssyncset.done $0x0  }
0x29: {  	[sflag:s25] =	ssyncadd.s32 $0xFFFFF000  }
0x2a: {  	_ =	swait.ge [sflag:s25], $0x1000  }
0x2b: {  	[sflag:s25] =	ssyncset.done $0x0  }
0x2c: {  	[sflag:s25] =	ssyncadd.s32 $0xFFFFF000  }
0x2d: {  	_ =	swait.ge [sflag:s25], $0x1000  }
0x2e: {  	[sflag:s25] =	ssyncset.done $0x0  }
0x2f: {  	[sflag:s25] =	ssyncadd.s32 $0xFFFFF000  }
0x30: {  	_ =	swait.ge [sflag:s25], $0x1000  }
0x31: {  	[sflag:s25] =	ssyncset.done $0x0  }
0x32: {  	[sflag:s25] =	ssyncadd.s32 $0xFFFFF000  }
0x33: {  	_ =	swait.ge [sflag:s25], $0x1000  }
0x34: {  	[sflag:s25] =	ssyncset.done $0x0  }
0x35: {  	[sflag:s25] =	ssyncadd.s32 $0xFFFFF000  }
0x36: {  	_ =	swait.ge [sflag:s25], $0x1000  }
0x37: {  	[sflag:s25] =	ssyncset.done $0x0  }
0x38: {  	[sflag:s25] =	ssyncadd.s32 $0xFFFFF000  }
0x39: {  	_ =	swait.ge [sflag:s25], $0x400  }
0x3a: {  	[sflag:s25] =	ssyncset.done $0x0  }
0x3b: {  	s31 =	simm.s32 $0x0;
	[sflag:s25] =	ssyncadd.s32 $0xFFFFFC00  }
0x3c: {  	v1 =	vld [tilespmem:s31+$0x6720]  }
0x3d: {  	v0 =	vld [tilespmem:s31+$0x6730]  }
0x3e: {  	v5 =	vld [tilespmem:s31+$0x320]  }
0x3f: {  	v7 =	vld [tilespmem:s31+$0x330]  }
0x40: {  	v6 =	vld [tilespmem:s31+$0x1C20]  }
0x41: {  	v3 =	vld [tilespmem:s31+$0x1C30]  }
0x42: {  	v2 =	vld [tilespmem:s31+$0x3520]  }
0x43: {  	v4 =	vld [tilespmem:s31+$0x3530];
	v8 =	vadd.f32 v5, v1  }
0x44: {  	s0 =	simm.s32 $0x80;
	v7 =	vadd.f32 v7, v0;
	v5 =	vld [tilespmem:s31+$0x4E20]  }
.LBB2_3:
0x45: {  	s3 =	sshra.s32 s0, $0x2;
	p0 =	sne.s32 s0, $0x6380;
	[tilespmem:s31+$0x320] =	vst v8;
	v6 =	vadd.f32 v6, v1;
	v8 =	vld [tilespmem:s31+$0x4E30]  }
0x46: {  	v9 =	vld [tilespmem:s3+$0x6720];
	[tilespmem:s31+$0x330] =	vst v7;
	v3 =	vadd.f32 v3, v0  }
0x47: {  	v7 =	vld [tilespmem:s3+$0x6730];
	[tilespmem:s31+$0x1C20] =	vst v6;
	v2 =	vadd.f32 v2, v1  }
0x48: {  	v10 =	vld [tilespmem:s3+$0x320];
	[tilespmem:s31+$0x1C30] =	vst v3;
	v3 =	vadd.f32 v4, v0  }
0x49: {  	v11 =	vld [tilespmem:s3+$0x330];
	[tilespmem:s31+$0x3520] =	vst v2;
	v2 =	vadd.f32 v5, v1  }
.Ltmp0:
0x4a: {  	v6 =	vld [tilespmem:s3+$0x1C20];
	[tilespmem:s31+$0x3530] =	vst v3;
	v4 =	vadd.f32 v8, v0;
	(pc) =	sbr.rel @p0 .LBB2_3-.Ltmp0, $4  }
0x4b: {  	v3 =	vld [tilespmem:s3+$0x1C30];
	[tilespmem:s31+$0x4E20] =	vst v2;
	v1 =	vmov v9  }
0x4c: {  	v2 =	vld [tilespmem:s3+$0x3520];
	[tilespmem:s31+$0x4E30] =	vst v4;
	v0 =	vmov v7;
	s31 =	smov.u32 s3  }
0x4d: {  	v8 =	vadd.f32 v10, v1;
	v4 =	vld [tilespmem:s31+$0x3530]  }
0x4e: {  	s0 =	sadd.s32 $0x80, s0;
	v7 =	vadd.f32 v11, v0;
	v5 =	vld [tilespmem:s31+$0x4E20]  }
0x4f: {  	[tilespmem:s31+$0x320] =	vst v8;
	v6 =	vadd.f32 v6, v1;
	v60 =	vld [tilespmem:s31+$0x4E30]  }
0x50: {  	[tilespmem:s31+$0x330] =	vst v7;
	v3 =	vadd.f32 v3, v0  }
0x51: {  	[tilespmem:s31+$0x1C20] =	vst v6;
	v2 =	vadd.f32 v2, v1  }
0x52: {  	[tilespmem:s31+$0x1C30] =	vst v3;
	v61 =	vadd.f32 v4, v0  }
0x53: {  	[tilespmem:s31+$0x3520] =	vst v2;
	v62 =	vadd.f32 v5, v1  }
0x54: {  	s29 =	sadd.s32 $0x1, s29;
	[tilespmem:s31+$0x3530] =	vst v61;
	v63 =	vadd.f32 v60, v0  }
0x55: {  	s0 =	sshll.u32 s30, $0x2;
	p0 =	sne.s32 s29, $0x20;
	[tilespmem:s31+$0x4E20] =	vst v62  }
.Ltmp1:
0x56: {  	s0 =	sadd.s32 s1, s0;
	[tilespmem:s31+$0x4E30] =	vst v63;
	(pc) =	sbr.rel @p0 .LBB2_2-.Ltmp1, $4  }
0x57: {  	[hbm4b:s0+s2] =	stream.linear.scatter [tilespmem:s12], [sflag:$0x2], $0x6400, $0x38;
	[tilespmem:$0x8020] =	vst v63  }
0x58: {  	_ =	swait.ge [sflag:s26], $0x6400  }
0x59: {  	[sflag:s26] =	ssyncset.done $0x0  }
0x5a: {  	[sflag:s26] =	ssyncadd.s32 $0xFFFF9C00  }
0x5b: {  	s28 =	sadd.s32 $0x1, s28  }
0x5c: {  	p0 =	sne.s32 s28, s8  }
.Ltmp2:
0x5d: {  	_ = 	snop;
	(pc) =	sbr.rel @p0 .LBB2_1-.Ltmp2, $1  }
0x5e: {  	_ =	sdelay $0x3  }
0x5f: {  	_ =	sfence.sel $0x180000  }
0x60: {  	[bflag:$0x0] =	sbarrier.arrive $0xFFFF  }
0x61: {  	_ =	strace $0x90000047  }
0x62: {  	s0 =	stileid.u32;
	[bflag:$0x2] =	sbarrier.arrive $0xFFFF  }
0x63: {  	p0 =	sne.s32 s0, $0x0;
	s0 =	rddreg [dreg:$0x2]  }
0x64: {  	s0 =	sadd.s32 @!p0 $0x100000, s0  }
0x65: {  	[sflag:s0] =	ssyncadd.tile.s32 @!p0 $0x1;
	_ =	shalt  }
.Lfunc_end2:
_tile_overlayer_lowered:
.L_overlay_start_2:
0x66: {  	(tag) =	ssettag $0x2  }
0x67: {  	s0 =	rddreg [dreg:$0x0];
	s2 =	stileid.u32  }
0x68: {  	s1 =	rddreg [dreg:$0x1];
	p0 =	sne.s32 s2, $0x0  }
0x69: {  	s3 =	rddreg [dreg:$0x2];
	[bflag:$0x3] =	sbarrier.arrive $0xFFFF;
	s2 =	simm.s32 @!p0 $0x1C03  }
0x6a: {  	[timem:s3], [sflag:s2] =	dma.local @!p0 [hbm:s0], s1  }
0x6b: {  	s0 =	simm.s32 @!p0 $0x3  }
0x6c: {  	_ =	swait.ge @!p0 [sflag:s0], s1  }
0x6d: {  	s1 =	ssub.s32 @!p0 $0x0, s1;
	[sflag:s0] =	ssyncset.done @!p0 $0x0  }
0x6e: {  	[sflag:s0] =	ssyncadd.s32 @!p0 s1  }
0x6f: {  	[bflag:$0x3] =	sbarrier.arrive $0xFFFF  }
0x70: {  	_ =	shalt  }

// kernel: sparse-core-data-format-call.cloned.1.call-start
scs
called_computation_lowered:
.L_overlay_start_0:
0x0: {  	s2 =	sld [smem:$0x3FD9]  }
0x1: {  	s3 =	sld [smem:$0x3FFE];
	_ =	sdelay $0x1  }
0x2: {  	s1 =	srdreg.scid  }
0x3: {  	s0 =	sand.u32 $0x1, s1  }
0x4: {  	s18 =	sshll.u32 s0, $0xA;
	s2 =	sadd.s32 s3, s2  }
0x5: {  	s2 =	sadd.s32 s2, s18  }
0x6: {  	[smem:$0x3FC5] =	sst s2  }
0x7: {  	_ = 	snop  }
0x8: {  	s2 =	sld [smem:$0x3FD0];
	(tm) =	ssettm $0x1  }
0x9: {  	s19 =	sld [smem:$0x3FFB];
	_ =	sdelay $0x3  }
0xa: {  	_ =	strace s19  }
0xb: {  	s3 =	sld [smem:$0x3FFC];
	_ =	sdelay $0x3  }
0xc: {  	_ =	strace s3  }
0xd: {  	s3 =	sld [smem:$0x3FFD];
	_ =	sdelay $0x3  }
0xe: {  	_ =	strace s3  }
0xf: {  	_ =	strace $0x8FFFFFFF  }
0x10: {  	s20 =	sld [smem:$0x3FDB];
	_ =	sdelay $0x1  }
0x11: {  	s4 =	simm.s32 $_scs_section_size  }
0x12: {  	s5 =	simm.s32 $_size__tile_overlayer_lowered;
	s6 =	simm.s32 $_tile_overlayer_lowered  }
0x13: {  	s23 =	simm.s32 $0x1BFF;
	s22 =	sshll.u32 s6, $0x1;
	s3 =	sadd.s32 s4, s20  }
0x14: {  	s7 =	simm.s32 $0x0;
	s21 =	sshll.u32 s5, $0x1;
	s5 =	sadd.s32 s22, s3  }
0x15: {  	[timem:s7], [sflag:s23] =	dma.local [hbm:s5], s21  }
0x16: {  	_ =	swait.ge [sflag:s23], s21  }
0x17: {  	s4 =	ssub.s32 $0x0, s21;
	[sflag:s23] =	ssyncset.done $0x0  }
0x18: {  	[sflag:s23] =	ssyncadd.s32 s4;
	_ =	sdelay $0x1  }
0x19: {  	s24 =	simm.s32 $0x1B8B  }
0x1a: {  	_ =	swait.ge [sflag:s24], $0x1  }
0x1b: {  	[sflag:s24] =	ssyncset.done $0x0  }
0x1c: {  	s26 =	simm.s32 $0x1B8E;
	s25 =	sld [smem:$0x3FFE];
	[sflag:s24] =	ssyncadd.s32 $0xFFFFFFFF  }
0x1d: {  	s27 =	simm.s32 $execute0_lowered;
	[smem:$0x3FD2] =	sst s26  }
0x1e: {  	s5 =	sshll.u32 s27, $0x1;
	_ =	strace $0x80000049;
	[dreg:$0x1] =	wrdreg $0xFFFFFFFF  }
0x1f: {  	s28 =	simm.s32 $_size_execute0_lowered;
	s3 =	sadd.s32 s3, s5;
	[dreg:$0x0] =	wrdreg $0x0  }
0x20: {  	s5 =	sshll.u32 s28, $0x1;
	[dreg:$0x2] =	wrdreg s3  }
0x21: {  	[dreg:$0x3] =	wrdreg s5  }
0x22: {  	[dreg:$0x4] =	wrdreg $0xC0  }
0x23: {  	_ =	task [dreg:s7], $0x5FFFF  }
0x24: {  	[dreg:$0x1] =	wrdreg $0xFFFFFFFF  }
0x25: {  	[dreg:$0x0] =	wrdreg $0x60  }
0x26: {  	[dreg:$0x2] =	wrdreg s25  }
0x27: {  	[dreg:$0x3] =	wrdreg s2  }
0x28: {  	[dreg:$0x4] =	wrdreg $0x9  }
0x29: {  	_ =	task.clear_ibuf [dreg:s7], $0x5FFFF;
	_ =	strace $0x90000049  }
0x2a: {  	s29 =	simm.s32 $0x9;
	_ =	strace $0x8000004B  }
0x2b: {  	_ =	swait.ge [sflag:s29], $0x1  }
0x2c: {  	[sflag:s29] =	ssyncadd.s32 $0xFFFFFFFF  }
0x2d: {  	_ =	strace $0x9000004B  }
0x2e: {  	_ =	sfence  }
0x2f: {  	s30 =	sld [smem:$0x0];
	_ =	sdelay $0x2  }
0x30: {  	s31 =	sshll.u32 s1, $0xD;
	s1 =	sshrl.u32 s1, $0x2  }
0x31: {  	s3 =	sand.u32 $0x4000, s31;
	s1 =	sadd.s32 s1, s30  }
0x32: {  	s0 =	sor.u32 s3, s0;
	s1 =	sshll.u32 s1, $0x11  }
0x33: {  	s0 =	sor.u32 s1, s0  }
0x34: {  	s0 =	sadd.s32 $0x8F2B, s0  }
0x35: {  	[sflag:s0] =	ssyncadd.remote.s32 $0x1  }
0x36: {  	_ =	sfence.sel $0xFFFF  }
0x37: {  	[dreg:$0x0] =	wrdreg $0xFFFFFFFF;
	(pc) =	sbr.abs _section_cstart, $3  }
0x38: {  	[dreg:$0x1] =	wrdreg $0xFFFFFFFF  }
0x39: {  	_ =	task.clear_ibuf [dreg:s7], $0x2FFFF;
	_ =	strace $0x9FFFFFFF  }
0x3a: {  	(tm) =	ssettm $0x7FFFFFFF  }
0x3b: {  	_ =	shalt  }
tec
execute0_lowered:
.L_overlay_start_1:
0x0: {  	(tag) =	ssettag $0x1  }
0x1: {  	s0 =	srdreg.scid  }
0x2: {  	s1 =	sshll.u32 s0, $0x4  }
0x3: {  	s0 =	stileid.u32;
	s1 =	sand.u32 $0x10, s1  }
0x4: {  	s1 =	sor.u32 s0, s1  }
0x5: {  	s6 =	rddreg [dreg:$0x0];
	s4 =	simm.s32 $0x1;
	s2 =	sshll.u32 s1, $0x7  }
0x6: {  	s7 =	simm.s32 $0x2;
	s12 =	simm.s32 $0x0;
	s1 =	ssub.s32 $0x1000, s2  }
0x7: {  	s8 =	simm.s32 $0x8000;
	s13 =	simm.s32 $0x0;
	s3 =	sand.u32 $0xF80, s1  }
0x8: {  	s9 =	simm.s32 $0x0;
	s5 =	sshrl.u32 s1, $0xC;
	p0 =	sne.s32 s3, $0x0  }
.Ltmp0:
0x9: {  	s1 =	rddreg [dreg:$0x2];
	s4 =	simm.s32 @!p0 $0x0;
	(pc) =	sbr.rel .LBB1_1-.Ltmp0, $4  }
0xa: {  	s11 =	simm.s32 $0x0;
	s3 =	rddreg [dreg:$0x1];
	s5 =	sadd.s32 s4, s5  }
0xb: {  	_ =	strace $0x8000004A;
	s4 =	simm.s32 $0x1;
	s5 =	smul.u32 $0xC8, s5  }
0xc: {  	s6 =	sadd.s32 $0xC00, s6;
	s10 =	smov.u32 s2;
	[sflag:s4] =	ssyncpa.u1 $0x0  }
0xd: {  	p0 =	por $0x0, $0x0;
	[sflag:s7] =	ssyncpa.u1 $0x0;
	s7 =	sor.u32 $0x1, s5  }
.LBB1_4:
0xe: {  	s16 =	sshll.u32 s13, $0x3;
	s17 =	sand.u32 $0x78, s13  }
0xf: {  	s30 =	sand.u32 $0x3E00, s13;
	s12 =	sshll.u32 s12, $0xE;
	s16 =	sand.u32 $0xC00, s16  }
0x10: {  	s31 =	sand.u32 $0x7, s13;
	s16 =	sor.u32 s17, s16;
	s17 =	sadd.s32 s3, s30  }
0x11: {  	s13 =	sshll.u32 s31, $0x12;
	s16 =	sshrl.u32 s16, $0x3;
	s12 =	sadd.s32 s12, s17  }
0x12: {  	[tilespmem:s15+$0x0 ss:$0x81] =	vst.msk $0xffff, v0;
	s13 =	sor.u32 $0x400, s13;
	s12 =	sadd.s32 s16, s12  }
0x13: {  	[hbm4b:s12+s13] =	stream.strided.scatter [tilespmem:s14], [sflag:$0x2], $0x1000, s8, s13, $0x20;
	[tilespmem:$0x4040] =	vst v63  }
.LBB1_5:
0x14: {  	s14 =	sadd.s32 $0x1, s9  }
0x15: {  	s12 =	sadd.s32 $0x1000, s10;
	s16 =	smov.u32 s10;
	p2 =	sgt.s32 s14, $0xC7  }
0x16: {  	s16 =	smov.u32 @p2 s12  }
0x17: {  	s14 =	simm.s32 @p2 $0x0;
	p2 =	sgt.s32 s16, $0xFFF  }
0x18: {  	s16 =	smov.u32 @p2 s2;
	p2 =	sne.s32 s11, s7  }
.Ltmp1:
0x19: {  	p1 =	slt.u32 s11, $0x2;
	(pc) =	sbr.rel @!p2 .LBB1_6-.Ltmp1, $4  }
0x1a: {  	s15 =	simm.s32 @!p1 $0x2  }
0x1b: {  	s13 =	smov.u32 s10;
	p0 =	por !p0, !p0;
	_ =	swait.ge @!p1 [sflag:s15], $0x1000  }
0x1c: {  	s12 =	smov.u32 s9;
	[sflag:s15] =	ssyncset.done @!p1 $0x0;
	s9 =	smov.u32 s14  }
0x1d: {  	s11 =	sadd.s32 $0x1, s11;
	[sflag:s15] =	ssyncadd.s32 @!p1 $0xFFFFF000;
	s10 =	smov.u32 s16  }
.LBB1_1:
0x1e: {  	p1 =	sge.u32 s11, s5  }
0x1f: {  	s14 =	sand.u32 @!p1 $0x1FFFFFF, s9  }
0x20: {  	s15 =	smulhi.u32 @!p1 $0x147AE15, s14;
	_ =	sdelay $0x1  }
0x21: {  	s15 =	smul.u32 @!p1 $0xC8, s15  }
0x22: {  	s16 =	sxor.u32 @!p1 $0xFFFFFFFF, s11;
	s17 =	smul.u32 @!p1 $0xC80, s10  }
0x23: {  	s31 =	sadd.s32 $0xFFFFFFFF, s11;
	s16 =	sshll.u32 @!p1 s16, $0xC;
	s14 =	ssub.s32 @!p1 s14, s15  }
0x24: {  	s15 =	sand.u32 @!p1 $0x1000, s16;
	s16 =	sadd.s32 @!p1 s6, s17;
	s14 =	sshll.u32 @!p1 s14, $0x4  }
0x25: {  	s17 =	simm.s32 @!p1 $0x6400;
	s14 =	sadd.s32 @!p1 s14, s16;
	s16 =	simm.s32 @!p1 $0x20  }
0x26: {  	[tilespmem:s15], [sflag:$0x1] =	stream.strided.gather @!p1 [hbm4b:s14+s16], $0x1000, s17, s16, $0x38;
	[tilespmem:$0x4040] =	vst v63  }
0x27: {  	p1 =	sge.u32 s31, s5  }
.Ltmp2:
0x28: {  	_ = 	snop;
	(pc) =	sbr.rel @p1 .LBB1_5-.Ltmp2, $1  }
0x29: {  	_ =	sdelay $0x3  }
0x2a: {  	s14 =	simm.s32 $0x1  }
0x2b: {  	_ =	swait.ge [sflag:s4], $0x1000;
	s14 =	simm.s32 @!p0 $0x0  }
0x2c: {  	[sflag:s4] =	ssyncset.done $0x0;
	s15 =	sshll.u32 s14, $0xC  }
0x2d: {  	[sflag:s4] =	ssyncadd.s32 $0xFFFFF000;
	s18 =	sor.u32 $0x10, s15  }
0x2e: {  	s14 =	smul.u32 $0x4080, s14;
	v1 =	vld [tilespmem:s18+$0x0]  }
0x2f: {  	s30 =	sand.u32 $0x1, s11;
	v0 =	vld [tilespmem:s18+$0xFFFFFFF0]  }
0x30: {  	s15 =	smul.u32 $0x4080, s30;
	s14 =	sshrl.u32 s14, $0x2  }
0x31: {  	s16 =	sor.u32 $0x2000, s14  }
0x32: {  	s31 =	sshrl.u32 s15, $0x2;
	s15 =	sadd.s32 $0x0, s16  }
0x33: {  	s17 =	simm.s32 $0x4;
	s18 =	sadd.s32 $0x20, s18;
	s14 =	sor.u32 $0x2000, s31;
	[tilespmem:s15+$0x810 ss:$0x81] =	vst.msk $0xffff, v1  }
.LBB1_3:
0x34: {  	v1 =	vld [tilespmem:s18+$0x0];
	p1 =	sne.s32 s17, $0x1FC;
	[tilespmem:s15+$0x0 ss:$0x81] =	vst.msk $0xffff, v0;
	s15 =	smov.u32 s17;
	s17 =	sadd.s32 $0x4, s17  }
.Ltmp3:
0x35: {  	v0 =	vld [tilespmem:s18+$0xFFFFFFF0];
	(pc) =	sbr.rel @p1 .LBB1_3-.Ltmp3, $4  }
0x36: {  	_ = 	snop  }
0x37: {  	s15 =	sshra.s32 s15, $0x2  }
0x38: {  	s15 =	sadd.s32 s15, s16  }
0x39: {  	s18 =	sadd.s32 $0x20, s18;
	[tilespmem:s15+$0x810 ss:$0x81] =	vst.msk $0xffff, v1  }
.Ltmp4:
0x3a: {  	_ = 	snop;
	(pc) =	sbr.rel .LBB1_4-.Ltmp4, $1  }
0x3b: {  	_ =	sdelay $0x3  }
.LBB1_6:
0x3c: {  	_ =	sfence.sel $0x180000  }
0x3d: {  	s2 =	simm.s32 $0x1;
	[bflag:$0x0] =	sbarrier.arrive $0xFFFF  }
0x3e: {  	s31 =	simm.s32 $0x2;
	[sflag:s2] =	ssyncpa.u1 $0x1  }
0x3f: {  	[sflag:s31] =	ssyncpa.u1 $0x1  }
0x40: {  	p0 =	sne.s32 s0, $0x0;
	_ =	strace $0x9000004A  }
0x41: {  	s0 =	sadd.s32 @!p0 $0x100000, s1;
	[bflag:$0x2] =	sbarrier.arrive $0xFFFF  }
0x42: {  	[sflag:s0] =	ssyncadd.tile.s32 @!p0 $0x1;
	_ =	shalt  }
.Lfunc_end1:
_tile_overlayer_lowered:
.L_overlay_start_2:
0x43: {  	(tag) =	ssettag $0x2  }
0x44: {  	s0 =	rddreg [dreg:$0x0];
	s2 =	stileid.u32  }
0x45: {  	s1 =	rddreg [dreg:$0x1];
	p0 =	sne.s32 s2, $0x0  }
0x46: {  	s3 =	rddreg [dreg:$0x2];
	[bflag:$0x3] =	sbarrier.arrive $0xFFFF;
	s2 =	simm.s32 @!p0 $0x1C01  }
0x47: {  	[timem:s3], [sflag:s2] =	dma.local @!p0 [hbm:s0], s1  }
0x48: {  	s0 =	simm.s32 @!p0 $0x1  }
0x49: {  	_ =	swait.ge @!p0 [sflag:s0], s1  }
0x4a: {  	s1 =	ssub.s32 @!p0 $0x0, s1;
	[sflag:s0] =	ssyncset.done @!p0 $0x0  }
0x4b: {  	[sflag:s0] =	ssyncadd.s32 @!p0 s1  }
0x4c: {  	[bflag:$0x3] =	sbarrier.arrive $0xFFFF  }
0x4d: {  	_ =	shalt  }

</sc_bundles>
